<compile_context>
chip_gen: v7x
topology: tpu7x:2x2x1
jax: 0.10.2.dev20260603
libtpu: 0.0.44.dev20260713+nightly
codegen_flags: <defaults>
</compile_context>

<pallas_src>
import functools

import jax
import jax.numpy as jnp
from jax import lax
from jax.experimental import pallas as pl
from jax.experimental.pallas import tpu as pltpu
from jax.experimental.pallas import tpu_sc as plsc

BN_EPS = 1e-5
NC = 2
NS = 16
CH = 128
LANES = 16


def _sc_aggregate(x, src3, dst3, n_pad, cpw):
    n, d = x.shape
    rows_pt = n_pad // NS

    mesh = plsc.VectorSubcoreMesh(core_axis_name="c", subcore_axis_name="s")

    @functools.partial(
        pl.kernel,
        out_type=jax.ShapeDtypeStruct((NC, n_pad, d), jnp.float32),
        mesh=mesh,
        scratch_types=[
            pltpu.VMEM((cpw, CH), jnp.int32),
            pltpu.VMEM((cpw, CH), jnp.int32),
            pltpu.VMEM((CH, d), jnp.float32),
            pltpu.VMEM_SHARED((n_pad, d), jnp.float32),
        ],
    )
    def agg(x_hbm, src_hbm, dst_hbm, out_hbm, src_v, dst_v, rows_v, acc_sh):
        c = lax.axis_index("c")
        s = lax.axis_index("s")
        wid = c * NS + s

        zv = jnp.zeros((LANES,), jnp.float32)

        def zrow(rr, carry):
            for g in range(d // LANES):
                rows_v[rr, pl.ds(g * LANES, LANES)] = zv
            return carry

        lax.fori_loop(0, CH, zrow, 0)
        full, rem = divmod(rows_pt, CH)
        for q in range(full):
            pltpu.sync_copy(rows_v, acc_sh.at[pl.ds(s * rows_pt + q * CH, CH)])
        if rem:
            pltpu.sync_copy(
                rows_v.at[pl.ds(0, rem)],
                acc_sh.at[pl.ds(s * rows_pt + full * CH, rem)])

        pltpu.sync_copy(src_hbm.at[wid], src_v)
        pltpu.sync_copy(dst_hbm.at[wid], dst_v)
        plsc.subcore_barrier()

        def body(j, carry):
            pltpu.sync_copy(x_hbm.at[src_v.at[j]], rows_v)
            pltpu.sync_copy(rows_v, acc_sh.at[dst_v.at[j]], add=True)
            return carry

        lax.fori_loop(0, cpw, body, 0)
        plsc.subcore_barrier()

        pltpu.sync_copy(
            acc_sh.at[pl.ds(s * rows_pt, rows_pt)],
            out_hbm.at[c, pl.ds(s * rows_pt, rows_pt)],
        )

    return agg(x, src3, dst3)


def _mlp_bn_kernel(inv_n, x_ref, p_ref, w_ref, b_ref, g_ref, bt_ref, o_ref,
                   z_sc, acc):
    ph = pl.program_id(0)
    i = pl.program_id(1)

    @pl.when(ph == 0)
    def _():
        h = x_ref[...] + p_ref[0] + p_ref[1]
        z = lax.dot_general(
            h, w_ref[...], (((1,), (1,)), ((), ())),
            preferred_element_type=jnp.float32,
        ) + b_ref[...]
        z_sc[i] = z
        ssum = jnp.sum(z, axis=0, keepdims=True)
        qsum = jnp.sum(z * z, axis=0, keepdims=True)

        @pl.when(i == 0)
        def _():
            acc[0:1, :] = ssum
            acc[1:2, :] = qsum

        @pl.when(i != 0)
        def _():
            acc[0:1, :] += ssum
            acc[1:2, :] += qsum

    @pl.when(ph == 1)
    def _():
        mean = acc[0:1, :] * inv_n
        var = acc[1:2, :] * inv_n - mean * mean
        scale = lax.rsqrt(var + BN_EPS) * g_ref[...]
        shift = bt_ref[...] - mean * scale
        o_ref[...] = z_sc[i] * scale + shift


def kernel(x, edge_index, adj_norm_sp, W, b, gamma, beta):
    n, d = x.shape
    e = edge_index.shape[1]
    nw = NC * NS

    src = edge_index[0].astype(jnp.int32)
    dst = edge_index[1].astype(jnp.int32)

    cpw = -(-e // (nw * CH))
    e_pad = nw * cpw * CH
    if e_pad > e:
        src = jnp.concatenate([src, jnp.zeros((e_pad - e,), jnp.int32)])
        dst = jnp.concatenate([dst, jnp.full((e_pad - e,), n, jnp.int32)])
    src3 = src.reshape(nw, cpw, CH)
    dst3 = dst.reshape(nw, cpw, CH)

    n_pad = -(-n // (NS * 8)) * (NS * 8)
    if n_pad == n:
        n_pad += NS * 8

    partials = _sc_aggregate(x, src3, dst3, n_pad, cpw)

    nb = 5
    r = n // nb
    out = pl.pallas_call(
        functools.partial(_mlp_bn_kernel, 1.0 / n),
        grid=(2, nb),
        in_specs=[
            pl.BlockSpec((r, d), lambda ph, i: ((1 - ph) * i, 0)),
            pl.BlockSpec((NC, r, d), lambda ph, i: (0, (1 - ph) * i, 0)),
            pl.BlockSpec((d, d), lambda ph, i: (0, 0)),
            pl.BlockSpec((1, d), lambda ph, i: (0, 0)),
            pl.BlockSpec((1, d), lambda ph, i: (0, 0)),
            pl.BlockSpec((1, d), lambda ph, i: (0, 0)),
        ],
        out_specs=pl.BlockSpec((r, d), lambda ph, i: (i, 0)),
        out_shape=jax.ShapeDtypeStruct((n, d), jnp.float32),
        scratch_shapes=[
            pltpu.VMEM((nb, r, d), jnp.float32),
            pltpu.VMEM((2, d), jnp.float32),
        ],
    )(x, partials, W, b.reshape(1, d), gamma.reshape(1, d),
      beta.reshape(1, d))

    return out

# --- scband reference (transcript-rebuilt; emitter-appended) ---
"""Pipeline reference for scband-gin-encoder-10969346474303 (READ-ONLY COPY).

The authoritative reference and input builder live on the scoring server;
editing this copy changes nothing except your own understanding.
"""

import jax, jax.numpy as jnp
import numpy as np

N_NODES = 10000
N_EDGES = 320000
D_FEAT = 128
HIDDEN = 128
BN_EPS = 1e-5


def setup_inputs(seed: int = 0) -> dict:
    key = jax.random.key(seed)
    k_x, k_e, k_w, k_b, k_g, k_bt = jax.random.split(key, 6)
    x = jax.random.normal(k_x, (N_NODES, D_FEAT), dtype=jnp.float32)
    edge_index = jax.random.randint(k_e, (2, N_EDGES), 0, N_NODES, dtype=jnp.int64)
    adj_norm_sp = jnp.zeros((1,), dtype=jnp.float32)
    # Linear(num_features -> hidden): PyTorch default init (kaiming uniform-ish)
    bound = 1.0 / np.sqrt(D_FEAT)
    W = jax.random.uniform(k_w, (HIDDEN, D_FEAT), dtype=jnp.float32, minval=-bound, maxval=bound)
    b = jax.random.uniform(k_b, (HIDDEN,), dtype=jnp.float32, minval=-bound, maxval=bound)
    # BatchNorm1d affine params
    gamma = jnp.ones((HIDDEN,), dtype=jnp.float32)
    beta = jnp.zeros((HIDDEN,), dtype=jnp.float32)
    return {"x": x, "edge_index": edge_index, "adj_norm_sp": adj_norm_sp,
            "W": W, "b": b, "gamma": gamma, "beta": beta}


def reference(x, edge_index, adj_norm_sp, W, b, gamma, beta):
    # GINConv with eps=0 (default, not trainable):
    #   h_i = mlp((1 + eps) * x_i + sum_{j in N(i)} x_j)
    src = edge_index[0]
    dst = edge_index[1]
    msgs = jnp.take(x, src, axis=0)                      # gather (SparseCore)
    aggr = jax.ops.segment_sum(msgs, dst, num_segments=x.shape[0])  # scatter-add
    h = x + aggr                                          # (1 + 0) * x + aggr
    # mlp = Linear(num_features, hidden) -> BatchNorm1d(hidden) (training mode)
    z = h @ W.T + b
    mean = jnp.mean(z, axis=0)
    var = jnp.mean((z - mean) ** 2, axis=0)               # biased variance (torch BN)
    out = (z - mean) / jnp.sqrt(var + BN_EPS) * gamma + beta
    return out

if __name__ == "__main__":
    import jax
    _d = setup_inputs()
    print(jax.jit(kernel)(*tuple(_d.values())))

</pallas_src>

<mosaic_0001>
#map = affine_map<(d0, d1) -> (0, 0)>
#map1 = affine_map<(d0, d1) -> (0, 0, 0)>
module attributes {stable_mosaic.version = 14 : i64} {
  func.func @agg(%arg0: i32, %arg1: i32, %arg2: memref<10000x128xf32, #tpu.memory_space<hbm>>, %arg3: memref<32x79x128xi32, #tpu.memory_space<hbm>>, %arg4: memref<32x79x128xi32, #tpu.memory_space<hbm>>, %arg5: memref<2x10112x128xf32, #tpu.memory_space<hbm>>, %arg6: memref<79x128xi32, #tpu.memory_space<vmem>>, %arg7: memref<79x128xi32, #tpu.memory_space<vmem>>, %arg8: memref<128x128xf32, #tpu.memory_space<vmem>>, %arg9: memref<10112x128xf32, #tpu.memory_space<vmem_shared>>) attributes {dimension_semantics = [#tpu.dimension_semantics<core_parallel>, #tpu.dimension_semantics<subcore_parallel>], iteration_bounds = array<i64: 2, 16>, scalar_prefetch = 0 : i64, scratch_operands = 4 : i64, tpu.core_type = #tpu.core_type<sc_vector_subcore>, window_params = [{transform_indices = #map}, {transform_indices = #map1}, {transform_indices = #map1}, {transform_indices = #map1}]} {
    %mul3A = arith.constant 16 : i32
    %mul3A_0 = arith.muli %arg0, %mul3A : i32
    %add3A = arith.addi %mul3A_0, %arg1 : i32
    %broadcast_in_dim3A = arith.constant 0.000000e+00 : f32
    %broadcast_in_dim3A_1 = vector.broadcast %broadcast_in_dim3A : f32 to vector<16xf32>
    %scan3A = arith.constant 0 : i32
    %scan3A_2 = arith.constant 0 : i32
    %scan3A_3 = arith.constant 128 : i32
    %scan3A_4 = arith.addi %scan3A_2, %scan3A_3 : i32
    %scan3A_5 = arith.constant 1 : i32
    scf.for %scan3A_38 = %scan3A_2 to %scan3A_4 step %scan3A_5  : i32 {
      %swap3A = arith.index_cast %scan3A_38 : i32 to index
      %swap3A_39 = arith.constant 0 : index
      %swap3A_40 = tpu.vector_load %arg8[%swap3A, %swap3A_39] {strides = array<i32>} : memref<128x128xf32, #tpu.memory_space<vmem>>, vector<1x16xf32>,
      %swap3A_41 = vector.shape_cast %swap3A_40 : vector<1x16xf32> to vector<16xf32>
      %swap3A_42 = vector.shape_cast %broadcast_in_dim3A_1 : vector<16xf32> to vector<1x16xf32>
      tpu.vector_store %arg8[%swap3A, %swap3A_39], %swap3A_42 {strides = array<i32>} : memref<128x128xf32, #tpu.memory_space<vmem>>, vector<1x16xf32>,
      %swap3A_43 = arith.index_cast %scan3A_38 : i32 to index
      %swap3A_44 = arith.constant 16 : index
      %swap3A_45 = tpu.vector_load %arg8[%swap3A_43, %swap3A_44] {strides = array<i32>} : memref<128x128xf32, #tpu.memory_space<vmem>>, vector<1x16xf32>,
      %swap3A_46 = vector.shape_cast %swap3A_45 : vector<1x16xf32> to vector<16xf32>
      %swap3A_47 = vector.shape_cast %broadcast_in_dim3A_1 : vector<16xf32> to vector<1x16xf32>
      tpu.vector_store %arg8[%swap3A_43, %swap3A_44], %swap3A_47 {strides = array<i32>} : memref<128x128xf32, #tpu.memory_space<vmem>>, vector<1x16xf32>,
      %swap3A_48 = arith.index_cast %scan3A_38 : i32 to index
      %swap3A_49 = arith.constant 32 : index
      %swap3A_50 = tpu.vector_load %arg8[%swap3A_48, %swap3A_49] {strides = array<i32>} : memref<128x128xf32, #tpu.memory_space<vmem>>, vector<1x16xf32>,
      %swap3A_51 = vector.shape_cast %swap3A_50 : vector<1x16xf32> to vector<16xf32>
      %swap3A_52 = vector.shape_cast %broadcast_in_dim3A_1 : vector<16xf32> to vector<1x16xf32>
      tpu.vector_store %arg8[%swap3A_48, %swap3A_49], %swap3A_52 {strides = array<i32>} : memref<128x128xf32, #tpu.memory_space<vmem>>, vector<1x16xf32>,
      %swap3A_53 = arith.index_cast %scan3A_38 : i32 to index
      %swap3A_54 = arith.constant 48 : index
      %swap3A_55 = tpu.vector_load %arg8[%swap3A_53, %swap3A_54] {strides = array<i32>} : memref<128x128xf32, #tpu.memory_space<vmem>>, vector<1x16xf32>,
      %swap3A_56 = vector.shape_cast %swap3A_55 : vector<1x16xf32> to vector<16xf32>
      %swap3A_57 = vector.shape_cast %broadcast_in_dim3A_1 : vector<16xf32> to vector<1x16xf32>
      tpu.vector_store %arg8[%swap3A_53, %swap3A_54], %swap3A_57 {strides = array<i32>} : memref<128x128xf32, #tpu.memory_space<vmem>>, vector<1x16xf32>,
      %swap3A_58 = arith.index_cast %scan3A_38 : i32 to index
      %swap3A_59 = arith.constant 64 : index
      %swap3A_60 = tpu.vector_load %arg8[%swap3A_58, %swap3A_59] {strides = array<i32>} : memref<128x128xf32, #tpu.memory_space<vmem>>, vector<1x16xf32>,
      %swap3A_61 = vector.shape_cast %swap3A_60 : vector<1x16xf32> to vector<16xf32>
      %swap3A_62 = vector.shape_cast %broadcast_in_dim3A_1 : vector<16xf32> to vector<1x16xf32>
      tpu.vector_store %arg8[%swap3A_58, %swap3A_59], %swap3A_62 {strides = array<i32>} : memref<128x128xf32, #tpu.memory_space<vmem>>, vector<1x16xf32>,
      %swap3A_63 = arith.index_cast %scan3A_38 : i32 to index
      %swap3A_64 = arith.constant 80 : index
      %swap3A_65 = tpu.vector_load %arg8[%swap3A_63, %swap3A_64] {strides = array<i32>} : memref<128x128xf32, #tpu.memory_space<vmem>>, vector<1x16xf32>,
      %swap3A_66 = vector.shape_cast %swap3A_65 : vector<1x16xf32> to vector<16xf32>
      %swap3A_67 = vector.shape_cast %broadcast_in_dim3A_1 : vector<16xf32> to vector<1x16xf32>
      tpu.vector_store %arg8[%swap3A_63, %swap3A_64], %swap3A_67 {strides = array<i32>} : memref<128x128xf32, #tpu.memory_space<vmem>>, vector<1x16xf32>,
      %swap3A_68 = arith.index_cast %scan3A_38 : i32 to index
      %swap3A_69 = arith.constant 96 : index
      %swap3A_70 = tpu.vector_load %arg8[%swap3A_68, %swap3A_69] {strides = array<i32>} : memref<128x128xf32, #tpu.memory_space<vmem>>, vector<1x16xf32>,
      %swap3A_71 = vector.shape_cast %swap3A_70 : vector<1x16xf32> to vector<16xf32>
      %swap3A_72 = vector.shape_cast %broadcast_in_dim3A_1 : vector<16xf32> to vector<1x16xf32>
      tpu.vector_store %arg8[%swap3A_68, %swap3A_69], %swap3A_72 {strides = array<i32>} : memref<128x128xf32, #tpu.memory_space<vmem>>, vector<1x16xf32>,
      %swap3A_73 = arith.index_cast %scan3A_38 : i32 to index
      %swap3A_74 = arith.constant 112 : index
      %swap3A_75 = tpu.vector_load %arg8[%swap3A_73, %swap3A_74] {strides = array<i32>} : memref<128x128xf32, #tpu.memory_space<vmem>>, vector<1x16xf32>,
      %swap3A_76 = vector.shape_cast %swap3A_75 : vector<1x16xf32> to vector<16xf32>
      %swap3A_77 = vector.shape_cast %broadcast_in_dim3A_1 : vector<16xf32> to vector<1x16xf32>
      tpu.vector_store %arg8[%swap3A_73, %swap3A_74], %swap3A_77 {strides = array<i32>} : memref<128x128xf32, #tpu.memory_space<vmem>>, vector<1x16xf32>,
    }
    %scan3A_6 = arith.constant 128 : i32
    %mul3A_7 = arith.constant 632 : i32
    %mul3A_8 = arith.muli %arg1, %mul3A_7 : i32
    %add3A_9 = arith.constant 0 : i32
    %add3A_10 = arith.addi %mul3A_8, %add3A_9 : i32
    "tpu.region"() ({
      %run_scoped3A = tpu.sem_alloc : memref<!tpu.dma_semaphore, #tpu.memory_space<semaphore_mem>>
      %dma_start3A = arith.constant 0 : i32
      %dma_start3A_38 = tpu.memref_slice %arg9[%add3A_10, %dma_start3A] : memref<10112x128xf32, #tpu.memory_space<vmem_shared>> -> memref<128x128xf32, #tpu.memory_space<vmem_shared>>
      %dma_start3A_39 = arith.constant 0 : i32
      %dma_start3A_40 = tpu.memref_slice %arg9[%add3A_10, %dma_start3A_39] : memref<10112x128xf32, #tpu.memory_space<vmem_shared>> -> memref<128x128xf32, #tpu.memory_space<vmem_shared>>
      tpu.enqueue_dma source(%arg8 : memref<128x128xf32, #tpu.memory_space<vmem>>) target(%dma_start3A_40 : memref<128x128xf32, #tpu.memory_space<vmem_shared>>) target_semaphore(%run_scoped3A : memref<!tpu.dma_semaphore, #tpu.memory_space<semaphore_mem>>)
      %dma_wait3A = arith.constant 0 : i32
      %dma_wait3A_41 = tpu.memref_slice %arg9[%add3A_10, %dma_wait3A] : memref<10112x128xf32, #tpu.memory_space<vmem_shared>> -> memref<128x128xf32, #tpu.memory_space<vmem_shared>>
      %dma_wait3A_42 = arith.constant 0 : i32
      %dma_wait3A_43 = tpu.memref_slice %arg9[%add3A_10, %dma_wait3A_42] : memref<10112x128xf32, #tpu.memory_space<vmem_shared>> -> memref<128x128xf32, #tpu.memory_space<vmem_shared>>
      tpu.wait_dma2 semaphore(%run_scoped3A : memref<!tpu.dma_semaphore, #tpu.memory_space<semaphore_mem>>) src(%arg8 : memref<128x128xf32, #tpu.memory_space<vmem>>) dst(%dma_wait3A_43 : memref<128x128xf32, #tpu.memory_space<vmem_shared>>)
      tpu.yield
    }) : () -> ()
    %mul3A_11 = arith.constant 632 : i32
    %mul3A_12 = arith.muli %arg1, %mul3A_11 : i32
    %add3A_13 = arith.constant 128 : i32
    %add3A_14 = arith.addi %mul3A_12, %add3A_13 : i32
    "tpu.region"() ({
      %run_scoped3A = tpu.sem_alloc : memref<!tpu.dma_semaphore, #tpu.memory_space<semaphore_mem>>
      %dma_start3A = arith.constant 0 : i32
      %dma_start3A_38 = tpu.memref_slice %arg9[%add3A_14, %dma_start3A] : memref<10112x128xf32, #tpu.memory_space<vmem_shared>> -> memref<128x128xf32, #tpu.memory_space<vmem_shared>>
      %dma_start3A_39 = arith.constant 0 : i32
      %dma_start3A_40 = tpu.memref_slice %arg9[%add3A_14, %dma_start3A_39] : memref<10112x128xf32, #tpu.memory_space<vmem_shared>> -> memref<128x128xf32, #tpu.memory_space<vmem_shared>>
      tpu.enqueue_dma source(%arg8 : memref<128x128xf32, #tpu.memory_space<vmem>>) target(%dma_start3A_40 : memref<128x128xf32, #tpu.memory_space<vmem_shared>>) target_semaphore(%run_scoped3A : memref<!tpu.dma_semaphore, #tpu.memory_space<semaphore_mem>>)
      %dma_wait3A = arith.constant 0 : i32
      %dma_wait3A_41 = tpu.memref_slice %arg9[%add3A_14, %dma_wait3A] : memref<10112x128xf32, #tpu.memory_space<vmem_shared>> -> memref<128x128xf32, #tpu.memory_space<vmem_shared>>
      %dma_wait3A_42 = arith.constant 0 : i32
      %dma_wait3A_43 = tpu.memref_slice %arg9[%add3A_14, %dma_wait3A_42] : memref<10112x128xf32, #tpu.memory_space<vmem_shared>> -> memref<128x128xf32, #tpu.memory_space<vmem_shared>>
      tpu.wait_dma2 semaphore(%run_scoped3A : memref<!tpu.dma_semaphore, #tpu.memory_space<semaphore_mem>>) src(%arg8 : memref<128x128xf32, #tpu.memory_space<vmem>>) dst(%dma_wait3A_43 : memref<128x128xf32, #tpu.memory_space<vmem_shared>>)
      tpu.yield
    }) : () -> ()
    %mul3A_15 = arith.constant 632 : i32
    %mul3A_16 = arith.muli %arg1, %mul3A_15 : i32
    %add3A_17 = arith.constant 256 : i32
    %add3A_18 = arith.addi %mul3A_16, %add3A_17 : i32
    "tpu.region"() ({
      %run_scoped3A = tpu.sem_alloc : memref<!tpu.dma_semaphore, #tpu.memory_space<semaphore_mem>>
      %dma_start3A = arith.constant 0 : i32
      %dma_start3A_38 = tpu.memref_slice %arg9[%add3A_18, %dma_start3A] : memref<10112x128xf32, #tpu.memory_space<vmem_shared>> -> memref<128x128xf32, #tpu.memory_space<vmem_shared>>
      %dma_start3A_39 = arith.constant 0 : i32
      %dma_start3A_40 = tpu.memref_slice %arg9[%add3A_18, %dma_start3A_39] : memref<10112x128xf32, #tpu.memory_space<vmem_shared>> -> memref<128x128xf32, #tpu.memory_space<vmem_shared>>
      tpu.enqueue_dma source(%arg8 : memref<128x128xf32, #tpu.memory_space<vmem>>) target(%dma_start3A_40 : memref<128x128xf32, #tpu.memory_space<vmem_shared>>) target_semaphore(%run_scoped3A : memref<!tpu.dma_semaphore, #tpu.memory_space<semaphore_mem>>)
      %dma_wait3A = arith.constant 0 : i32
      %dma_wait3A_41 = tpu.memref_slice %arg9[%add3A_18, %dma_wait3A] : memref<10112x128xf32, #tpu.memory_space<vmem_shared>> -> memref<128x128xf32, #tpu.memory_space<vmem_shared>>
      %dma_wait3A_42 = arith.constant 0 : i32
      %dma_wait3A_43 = tpu.memref_slice %arg9[%add3A_18, %dma_wait3A_42] : memref<10112x128xf32, #tpu.memory_space<vmem_shared>> -> memref<128x128xf32, #tpu.memory_space<vmem_shared>>
      tpu.wait_dma2 semaphore(%run_scoped3A : memref<!tpu.dma_semaphore, #tpu.memory_space<semaphore_mem>>) src(%arg8 : memref<128x128xf32, #tpu.memory_space<vmem>>) dst(%dma_wait3A_43 : memref<128x128xf32, #tpu.memory_space<vmem_shared>>)
      tpu.yield
    }) : () -> ()
    %mul3A_19 = arith.constant 632 : i32
    %mul3A_20 = arith.muli %arg1, %mul3A_19 : i32
    %add3A_21 = arith.constant 384 : i32
    %add3A_22 = arith.addi %mul3A_20, %add3A_21 : i32
    "tpu.region"() ({
      %run_scoped3A = tpu.sem_alloc : memref<!tpu.dma_semaphore, #tpu.memory_space<semaphore_mem>>
      %dma_start3A = arith.constant 0 : i32
      %dma_start3A_38 = tpu.memref_slice %arg9[%add3A_22, %dma_start3A] : memref<10112x128xf32, #tpu.memory_space<vmem_shared>> -> memref<128x128xf32, #tpu.memory_space<vmem_shared>>
      %dma_start3A_39 = arith.constant 0 : i32
      %dma_start3A_40 = tpu.memref_slice %arg9[%add3A_22, %dma_start3A_39] : memref<10112x128xf32, #tpu.memory_space<vmem_shared>> -> memref<128x128xf32, #tpu.memory_space<vmem_shared>>
      tpu.enqueue_dma source(%arg8 : memref<128x128xf32, #tpu.memory_space<vmem>>) target(%dma_start3A_40 : memref<128x128xf32, #tpu.memory_space<vmem_shared>>) target_semaphore(%run_scoped3A : memref<!tpu.dma_semaphore, #tpu.memory_space<semaphore_mem>>)
      %dma_wait3A = arith.constant 0 : i32
      %dma_wait3A_41 = tpu.memref_slice %arg9[%add3A_22, %dma_wait3A] : memref<10112x128xf32, #tpu.memory_space<vmem_shared>> -> memref<128x128xf32, #tpu.memory_space<vmem_shared>>
      %dma_wait3A_42 = arith.constant 0 : i32
      %dma_wait3A_43 = tpu.memref_slice %arg9[%add3A_22, %dma_wait3A_42] : memref<10112x128xf32, #tpu.memory_space<vmem_shared>> -> memref<128x128xf32, #tpu.memory_space<vmem_shared>>
      tpu.wait_dma2 semaphore(%run_scoped3A : memref<!tpu.dma_semaphore, #tpu.memory_space<semaphore_mem>>) src(%arg8 : memref<128x128xf32, #tpu.memory_space<vmem>>) dst(%dma_wait3A_43 : memref<128x128xf32, #tpu.memory_space<vmem_shared>>)
      tpu.yield
    }) : () -> ()
    %mul3A_23 = arith.constant 632 : i32
    %mul3A_24 = arith.muli %arg1, %mul3A_23 : i32
    %add3A_25 = arith.constant 512 : i32
    %add3A_26 = arith.addi %mul3A_24, %add3A_25 : i32
    "tpu.region"() ({
      %run_scoped3A = tpu.sem_alloc : memref<!tpu.dma_semaphore, #tpu.memory_space<semaphore_mem>>
      %dma_start3A = arith.constant 0 : i32
      %dma_start3A_38 = arith.constant 0 : i32
      %dma_start3A_39 = tpu.memref_slice %arg8[%dma_start3A, %dma_start3A_38] : memref<128x128xf32, #tpu.memory_space<vmem>> -> memref<120x128xf32, #tpu.memory_space<vmem>>
      %dma_start3A_40 = arith.constant 0 : i32
      %dma_start3A_41 = tpu.memref_slice %arg9[%add3A_26, %dma_start3A_40] : memref<10112x128xf32, #tpu.memory_space<vmem_shared>> -> memref<120x128xf32, #tpu.memory_space<vmem_shared>>
      %dma_start3A_42 = arith.constant 0 : i32
      %dma_start3A_43 = tpu.memref_slice %arg9[%add3A_26, %dma_start3A_42] : memref<10112x128xf32, #tpu.memory_space<vmem_shared>> -> memref<120x128xf32, #tpu.memory_space<vmem_shared>>
      %dma_start3A_44 = arith.constant 0 : i32
      %dma_start3A_45 = arith.constant 0 : i32
      %dma_start3A_46 = tpu.memref_slice %arg8[%dma_start3A_44, %dma_start3A_45] : memref<128x128xf32, #tpu.memory_space<vmem>> -> memref<120x128xf32, #tpu.memory_space<vmem>>
      tpu.enqueue_dma source(%dma_start3A_46 : memref<120x128xf32, #tpu.memory_space<vmem>>) target(%dma_start3A_43 : memref<120x128xf32, #tpu.memory_space<vmem_shared>>) target_semaphore(%run_scoped3A : memref<!tpu.dma_semaphore, #tpu.memory_space<semaphore_mem>>)
      %dma_wait3A = arith.constant 0 : i32
      %dma_wait3A_47 = arith.constant 0 : i32
      %dma_wait3A_48 = tpu.memref_slice %arg8[%dma_wait3A, %dma_wait3A_47] : memref<128x128xf32, #tpu.memory_space<vmem>> -> memref<120x128xf32, #tpu.memory_space<vmem>>
      %dma_wait3A_49 = arith.constant 0 : i32
      %dma_wait3A_50 = tpu.memref_slice %arg9[%add3A_26, %dma_wait3A_49] : memref<10112x128xf32, #tpu.memory_space<vmem_shared>> -> memref<120x128xf32, #tpu.memory_space<vmem_shared>>
      %dma_wait3A_51 = arith.constant 0 : i32
      %dma_wait3A_52 = tpu.memref_slice %arg9[%add3A_26, %dma_wait3A_51] : memref<10112x128xf32, #tpu.memory_space<vmem_shared>> -> memref<120x128xf32, #tpu.memory_space<vmem_shared>>
      %dma_wait3A_53 = arith.constant 0 : i32
      %dma_wait3A_54 = arith.constant 0 : i32
      %dma_wait3A_55 = tpu.memref_slice %arg8[%dma_wait3A_53, %dma_wait3A_54] : memref<128x128xf32, #tpu.memory_space<vmem>> -> memref<120x128xf32, #tpu.memory_space<vmem>>
      tpu.wait_dma2 semaphore(%run_scoped3A : memref<!tpu.dma_semaphore, #tpu.memory_space<semaphore_mem>>) src(%dma_wait3A_55 : memref<120x128xf32, #tpu.memory_space<vmem>>) dst(%dma_wait3A_52 : memref<120x128xf32, #tpu.memory_space<vmem_shared>>)
      tpu.yield
    }) : () -> ()
    "tpu.region"() ({
      %run_scoped3A = tpu.sem_alloc : memref<!tpu.dma_semaphore, #tpu.memory_space<semaphore_mem>>
      %dma_start3A = arith.constant 0 : i32
      %dma_start3A_38 = arith.constant 0 : i32
      %dma_start3A_39 = tpu.memref_slice %arg3[%add3A, %dma_start3A, %dma_start3A_38] : memref<32x79x128xi32, #tpu.memory_space<hbm>> -> memref<1x79x128xi32, #tpu.memory_space<hbm>>
      %dma_start3A_40 = tpu.memref_squeeze %dma_start3A_39 : memref<1x79x128xi32, #tpu.memory_space<hbm>> -> memref<79x128xi32, #tpu.memory_space<hbm>>
      %dma_start3A_41 = arith.constant 0 : i32
      %dma_start3A_42 = arith.constant 0 : i32
      %dma_start3A_43 = tpu.memref_slice %arg3[%add3A, %dma_start3A_41, %dma_start3A_42] : memref<32x79x128xi32, #tpu.memory_space<hbm>> -> memref<1x79x128xi32, #tpu.memory_space<hbm>>
      %dma_start3A_44 = tpu.memref_squeeze %dma_start3A_43 : memref<1x79x128xi32, #tpu.memory_space<hbm>> -> memref<79x128xi32, #tpu.memory_space<hbm>>
      tpu.enqueue_dma source(%dma_start3A_44 : memref<79x128xi32, #tpu.memory_space<hbm>>) target(%arg6 : memref<79x128xi32, #tpu.memory_space<vmem>>) target_semaphore(%run_scoped3A : memref<!tpu.dma_semaphore, #tpu.memory_space<semaphore_mem>>)
      %dma_wait3A = arith.constant 0 : i32
      %dma_wait3A_45 = arith.constant 0 : i32
      %dma_wait3A_46 = tpu.memref_slice %arg3[%add3A, %dma_wait3A, %dma_wait3A_45] : memref<32x79x128xi32, #tpu.memory_space<hbm>> -> memref<1x79x128xi32, #tpu.memory_space<hbm>>
      %dma_wait3A_47 = tpu.memref_squeeze %dma_wait3A_46 : memref<1x79x128xi32, #tpu.memory_space<hbm>> -> memref<79x128xi32, #tpu.memory_space<hbm>>
      %dma_wait3A_48 = arith.constant 0 : i32
      %dma_wait3A_49 = arith.constant 0 : i32
      %dma_wait3A_50 = tpu.memref_slice %arg3[%add3A, %dma_wait3A_48, %dma_wait3A_49] : memref<32x79x128xi32, #tpu.memory_space<hbm>> -> memref<1x79x128xi32, #tpu.memory_space<hbm>>
      %dma_wait3A_51 = tpu.memref_squeeze %dma_wait3A_50 : memref<1x79x128xi32, #tpu.memory_space<hbm>> -> memref<79x128xi32, #tpu.memory_space<hbm>>
      tpu.wait_dma2 semaphore(%run_scoped3A : memref<!tpu.dma_semaphore, #tpu.memory_space<semaphore_mem>>) src(%dma_wait3A_51 : memref<79x128xi32, #tpu.memory_space<hbm>>) dst(%arg6 : memref<79x128xi32, #tpu.memory_space<vmem>>)
      tpu.yield
    }) : () -> ()
    "tpu.region"() ({
      %run_scoped3A = tpu.sem_alloc : memref<!tpu.dma_semaphore, #tpu.memory_space<semaphore_mem>>
      %dma_start3A = arith.constant 0 : i32
      %dma_start3A_38 = arith.constant 0 : i32
      %dma_start3A_39 = tpu.memref_slice %arg4[%add3A, %dma_start3A, %dma_start3A_38] : memref<32x79x128xi32, #tpu.memory_space<hbm>> -> memref<1x79x128xi32, #tpu.memory_space<hbm>>
      %dma_start3A_40 = tpu.memref_squeeze %dma_start3A_39 : memref<1x79x128xi32, #tpu.memory_space<hbm>> -> memref<79x128xi32, #tpu.memory_space<hbm>>
      %dma_start3A_41 = arith.constant 0 : i32
      %dma_start3A_42 = arith.constant 0 : i32
      %dma_start3A_43 = tpu.memref_slice %arg4[%add3A, %dma_start3A_41, %dma_start3A_42] : memref<32x79x128xi32, #tpu.memory_space<hbm>> -> memref<1x79x128xi32, #tpu.memory_space<hbm>>
      %dma_start3A_44 = tpu.memref_squeeze %dma_start3A_43 : memref<1x79x128xi32, #tpu.memory_space<hbm>> -> memref<79x128xi32, #tpu.memory_space<hbm>>
      tpu.enqueue_dma source(%dma_start3A_44 : memref<79x128xi32, #tpu.memory_space<hbm>>) target(%arg7 : memref<79x128xi32, #tpu.memory_space<vmem>>) target_semaphore(%run_scoped3A : memref<!tpu.dma_semaphore, #tpu.memory_space<semaphore_mem>>)
      %dma_wait3A = arith.constant 0 : i32
      %dma_wait3A_45 = arith.constant 0 : i32
      %dma_wait3A_46 = tpu.memref_slice %arg4[%add3A, %dma_wait3A, %dma_wait3A_45] : memref<32x79x128xi32, #tpu.memory_space<hbm>> -> memref<1x79x128xi32, #tpu.memory_space<hbm>>
      %dma_wait3A_47 = tpu.memref_squeeze %dma_wait3A_46 : memref<1x79x128xi32, #tpu.memory_space<hbm>> -> memref<79x128xi32, #tpu.memory_space<hbm>>
      %dma_wait3A_48 = arith.constant 0 : i32
      %dma_wait3A_49 = arith.constant 0 : i32
      %dma_wait3A_50 = tpu.memref_slice %arg4[%add3A, %dma_wait3A_48, %dma_wait3A_49] : memref<32x79x128xi32, #tpu.memory_space<hbm>> -> memref<1x79x128xi32, #tpu.memory_space<hbm>>
      %dma_wait3A_51 = tpu.memref_squeeze %dma_wait3A_50 : memref<1x79x128xi32, #tpu.memory_space<hbm>> -> memref<79x128xi32, #tpu.memory_space<hbm>>
      tpu.wait_dma2 semaphore(%run_scoped3A : memref<!tpu.dma_semaphore, #tpu.memory_space<semaphore_mem>>) src(%dma_wait3A_51 : memref<79x128xi32, #tpu.memory_space<hbm>>) dst(%arg7 : memref<79x128xi32, #tpu.memory_space<vmem>>)
      tpu.yield
    }) : () -> ()
    %barrier3A = arith.constant 0 : index
    tpu.barrier barrier_id(%barrier3A)
    %scan3A_27 = arith.constant 0 : i32
    %scan3A_28 = arith.constant 0 : i32
    %scan3A_29 = arith.constant 79 : i32
    %scan3A_30 = arith.addi %scan3A_28, %scan3A_29 : i32
    %scan3A_31 = arith.constant 1 : i32
    scf.for %scan3A_38 = %scan3A_28 to %scan3A_30 step %scan3A_31  : i32 {
      "tpu.region"() ({
        %run_scoped3A = tpu.sem_alloc : memref<!tpu.dma_semaphore, #tpu.memory_space<semaphore_mem>>
        %dma_start3A = arith.constant 0 : i32
        %dma_start3A_39 = tpu.memref_slice %arg6[%scan3A_38, %dma_start3A] : memref<79x128xi32, #tpu.memory_space<vmem>> -> memref<1x128xi32, #tpu.memory_space<vmem>>
        %dma_start3A_40 = tpu.memref_squeeze %dma_start3A_39 : memref<1x128xi32, #tpu.memory_space<vmem>> -> memref<128xi32, #tpu.memory_space<vmem>>
        %dma_start3A_41 = arith.constant 0 : i32
        %dma_start3A_42 = arith.constant 0 : i32
        %dma_start3A_43 = tpu.memref_slice %arg2[%dma_start3A_41, %dma_start3A_42] : memref<10000x128xf32, #tpu.memory_space<hbm>> -> memref<10000x128xf32, #tpu.memory_space<hbm>>
        tpu.enqueue_indirect_dma source(%dma_start3A_43 : memref<10000x128xf32, #tpu.memory_space<hbm>>) target(%arg8 : memref<128x128xf32, #tpu.memory_space<vmem>>) offsets(%dma_start3A_40 : memref<128xi32, #tpu.memory_space<vmem>>) semaphore(%run_scoped3A : memref<!tpu.dma_semaphore, #tpu.memory_space<semaphore_mem>>)
        %dma_wait3A = arith.constant 0 : i32
        %dma_wait3A_44 = tpu.memref_slice %arg6[%scan3A_38, %dma_wait3A] : memref<79x128xi32, #tpu.memory_space<vmem>> -> memref<1x128xi32, #tpu.memory_space<vmem>>
        %dma_wait3A_45 = tpu.memref_squeeze %dma_wait3A_44 : memref<1x128xi32, #tpu.memory_space<vmem>> -> memref<128xi32, #tpu.memory_space<vmem>>
        %dma_wait3A_46 = arith.constant 0 : i32
        %dma_wait3A_47 = arith.constant 0 : i32
        %dma_wait3A_48 = tpu.memref_slice %arg2[%dma_wait3A_46, %dma_wait3A_47] : memref<10000x128xf32, #tpu.memory_space<hbm>> -> memref<10000x128xf32, #tpu.memory_space<hbm>>
        tpu.wait_indirect_dma semaphore(%run_scoped3A : memref<!tpu.dma_semaphore, #tpu.memory_space<semaphore_mem>>) src(%dma_wait3A_48 : memref<10000x128xf32, #tpu.memory_space<hbm>>) dst(%arg8 : memref<128x128xf32, #tpu.memory_space<vmem>>)
        tpu.yield
      }) : () -> ()
      "tpu.region"() ({
        %run_scoped3A = tpu.sem_alloc : memref<!tpu.dma_semaphore, #tpu.memory_space<semaphore_mem>>
        %dma_start3A = arith.constant 0 : i32
        %dma_start3A_39 = tpu.memref_slice %arg7[%scan3A_38, %dma_start3A] : memref<79x128xi32, #tpu.memory_space<vmem>> -> memref<1x128xi32, #tpu.memory_space<vmem>>
        %dma_start3A_40 = tpu.memref_squeeze %dma_start3A_39 : memref<1x128xi32, #tpu.memory_space<vmem>> -> memref<128xi32, #tpu.memory_space<vmem>>
        %dma_start3A_41 = arith.constant 0 : i32
        %dma_start3A_42 = arith.constant 0 : i32
        %dma_start3A_43 = tpu.memref_slice %arg9[%dma_start3A_41, %dma_start3A_42] : memref<10112x128xf32, #tpu.memory_space<vmem_shared>> -> memref<10112x128xf32, #tpu.memory_space<vmem_shared>>
        tpu.enqueue_indirect_dma source(%arg8 : memref<128x128xf32, #tpu.memory_space<vmem>>) target(%dma_start3A_43 : memref<10112x128xf32, #tpu.memory_space<vmem_shared>>) offsets(%dma_start3A_40 : memref<128xi32, #tpu.memory_space<vmem>>) semaphore(%run_scoped3A : memref<!tpu.dma_semaphore, #tpu.memory_space<semaphore_mem>>) {add = true}
        %dma_wait3A = arith.constant 0 : i32
        %dma_wait3A_44 = tpu.memref_slice %arg7[%scan3A_38, %dma_wait3A] : memref<79x128xi32, #tpu.memory_space<vmem>> -> memref<1x128xi32, #tpu.memory_space<vmem>>
        %dma_wait3A_45 = tpu.memref_squeeze %dma_wait3A_44 : memref<1x128xi32, #tpu.memory_space<vmem>> -> memref<128xi32, #tpu.memory_space<vmem>>
        %dma_wait3A_46 = arith.constant 0 : i32
        %dma_wait3A_47 = arith.constant 0 : i32
        %dma_wait3A_48 = tpu.memref_slice %arg9[%dma_wait3A_46, %dma_wait3A_47] : memref<10112x128xf32, #tpu.memory_space<vmem_shared>> -> memref<10112x128xf32, #tpu.memory_space<vmem_shared>>
        tpu.wait_indirect_dma semaphore(%run_scoped3A : memref<!tpu.dma_semaphore, #tpu.memory_space<semaphore_mem>>) src(%arg8 : memref<128x128xf32, #tpu.memory_space<vmem>>) dst(%dma_wait3A_48 : memref<10112x128xf32, #tpu.memory_space<vmem_shared>>)
        tpu.yield
      }) : () -> ()
    }
    %scan3A_32 = arith.constant 79 : i32
    %barrier3A_33 = arith.constant 0 : index
    tpu.barrier barrier_id(%barrier3A_33)
    %mul3A_34 = arith.constant 632 : i32
    %mul3A_35 = arith.muli %arg1, %mul3A_34 : i32
    %mul3A_36 = arith.constant 632 : i32
    %mul3A_37 = arith.muli %arg1, %mul3A_36 : i32
    "tpu.region"() ({
      %run_scoped3A = tpu.sem_alloc : memref<!tpu.dma_semaphore, #tpu.memory_space<semaphore_mem>>
      %dma_start3A = arith.constant 0 : i32
      %dma_start3A_38 = tpu.memref_slice %arg5[%arg0, %mul3A_37, %dma_start3A] : memref<2x10112x128xf32, #tpu.memory_space<hbm>> -> memref<1x632x128xf32, #tpu.memory_space<hbm>>
      %dma_start3A_39 = tpu.memref_squeeze %dma_start3A_38 : memref<1x632x128xf32, #tpu.memory_space<hbm>> -> memref<632x128xf32, #tpu.memory_space<hbm>>
      %dma_start3A_40 = arith.constant 0 : i32
      %dma_start3A_41 = tpu.memref_slice %arg9[%mul3A_35, %dma_start3A_40] : memref<10112x128xf32, #tpu.memory_space<vmem_shared>> -> memref<632x128xf32, #tpu.memory_space<vmem_shared>>
      tpu.enqueue_dma source(%dma_start3A_41 : memref<632x128xf32, #tpu.memory_space<vmem_shared>>) target(%dma_start3A_39 : memref<632x128xf32, #tpu.memory_space<hbm>>) target_semaphore(%run_scoped3A : memref<!tpu.dma_semaphore, #tpu.memory_space<semaphore_mem>>)
      %dma_wait3A = arith.constant 0 : i32
      %dma_wait3A_42 = tpu.memref_slice %arg5[%arg0, %mul3A_37, %dma_wait3A] : memref<2x10112x128xf32, #tpu.memory_space<hbm>> -> memref<1x632x128xf32, #tpu.memory_space<hbm>>
      %dma_wait3A_43 = tpu.memref_squeeze %dma_wait3A_42 : memref<1x632x128xf32, #tpu.memory_space<hbm>> -> memref<632x128xf32, #tpu.memory_space<hbm>>
      %dma_wait3A_44 = arith.constant 0 : i32
      %dma_wait3A_45 = tpu.memref_slice %arg9[%mul3A_35, %dma_wait3A_44] : memref<10112x128xf32, #tpu.memory_space<vmem_shared>> -> memref<632x128xf32, #tpu.memory_space<vmem_shared>>
      tpu.wait_dma2 semaphore(%run_scoped3A : memref<!tpu.dma_semaphore, #tpu.memory_space<semaphore_mem>>) src(%dma_wait3A_45 : memref<632x128xf32, #tpu.memory_space<vmem_shared>>) dst(%dma_wait3A_43 : memref<632x128xf32, #tpu.memory_space<hbm>>)
      tpu.yield
    }) : () -> ()
    return
  }
}

module attributes {stable_mosaic.version = 14 : i64} {
  func.func @_mlp_bn_kernel(%arg0: i32, %arg1: i32, %arg2: memref<2000x128xf32, #tpu.memory_space<vmem>>, %arg3: memref<2x2000x128xf32, #tpu.memory_space<vmem>>, %arg4: memref<128x128xf32, #tpu.memory_space<vmem>>, %arg5: memref<1x128xf32, #tpu.memory_space<vmem>>, %arg6: memref<1x128xf32, #tpu.memory_space<vmem>>, %arg7: memref<1x128xf32, #tpu.memory_space<vmem>>, %arg8: memref<2000x128xf32, #tpu.memory_space<vmem>>, %arg9: memref<5x2000x128xf32, #tpu.memory_space<vmem>>, %arg10: memref<2x128xf32, #tpu.memory_space<vmem>>) attributes {dimension_semantics = [#tpu.dimension_semantics<arbitrary>, #tpu.dimension_semantics<arbitrary>], iteration_bounds = array<i64: 2, 5>, scalar_prefetch = 0 : i64, scratch_operands = 2 : i64, tpu.core_type = #tpu.core_type<tc>, window_params = [{transform_indices = @transform_0, window_bounds = array<i64: 2000, 128>}, {transform_indices = @transform_1, window_bounds = array<i64: 2, 2000, 128>}, {pipeline_mode = #tpu.pipeline_mode<synchronous>, transform_indices = @transform_2, window_bounds = array<i64: 128, 128>}, {pipeline_mode = #tpu.pipeline_mode<synchronous>, transform_indices = @transform_3, window_bounds = array<i64: 1, 128>}, {pipeline_mode = #tpu.pipeline_mode<synchronous>, transform_indices = @transform_4, window_bounds = array<i64: 1, 128>}, {pipeline_mode = #tpu.pipeline_mode<synchronous>, transform_indices = @transform_5, window_bounds = array<i64: 1, 128>}, {transform_indices = @transform_6, window_bounds = array<i64: 2000, 128>}]} {
    %eq3A = arith.constant 0 : i32
    %eq3A_0 = arith.cmpi eq, %arg0, %eq3A : i32
    %convert_element_type3A = arith.extui %eq3A_0 : i1 to i32
    %cond3A = arith.constant 0 : i32
    %cond3A_1 = arith.cmpi ne, %convert_element_type3A, %cond3A : i32
    scf.if %cond3A_1 {
      %get3A = arith.constant 0 : index
      %get3A_7 = arith.constant 0 : index
      %get3A_8 = vector.load %arg2[%get3A, %get3A_7] : memref<2000x128xf32, #tpu.memory_space<vmem>>, vector<2000x128xf32>
      %get3A_9 = arith.constant 0 : index
      %get3A_10 = arith.constant 0 : index
      %get3A_11 = arith.constant 0 : index
      %get3A_12 = vector.load %arg3[%get3A_9, %get3A_10, %get3A_11] : memref<2x2000x128xf32, #tpu.memory_space<vmem>>, vector<1x2000x128xf32>
      %get3A_13 = vector.shape_cast %get3A_12 : vector<1x2000x128xf32> to vector<2000x128xf32>
      %add3A = arith.addf %get3A_8, %get3A_13 : vector<2000x128xf32>
      %get3A_14 = arith.constant 1 : index
      %get3A_15 = arith.constant 0 : index
      %get3A_16 = arith.constant 0 : index
      %get3A_17 = vector.load %arg3[%get3A_14, %get3A_15, %get3A_16] : memref<2x2000x128xf32, #tpu.memory_space<vmem>>, vector<1x2000x128xf32>
      %get3A_18 = vector.shape_cast %get3A_17 : vector<1x2000x128xf32> to vector<2000x128xf32>
      %add3A_19 = arith.addf %add3A, %get3A_18 : vector<2000x128xf32>
      %get3A_20 = arith.constant 0 : index
      %get3A_21 = arith.constant 0 : index
      %get3A_22 = vector.load %arg4[%get3A_20, %get3A_21] : memref<128x128xf32, #tpu.memory_space<vmem>>, vector<128x128xf32>
      %dot_general3A = arith.constant dense<0.000000e+00> : vector<2000x128xf32>
      %dot_general3A_23 = tpu.matmul %add3A_19, %get3A_22, %dot_general3A {dimension_numbers = #tpu.dot_dimension_numbers<[1], [1], [0], [0], [0, 0, 1, 0], [], []>, transpose_lhs_hint = false} : vector<2000x128xf32>, vector<128x128xf32>, vector<2000x128xf32> -> vector<2000x128xf32>
      %get3A_24 = arith.constant 0 : index
      %get3A_25 = arith.constant 0 : index
      %get3A_26 = vector.load %arg5[%get3A_24, %get3A_25] : memref<1x128xf32, #tpu.memory_space<vmem>>, vector<1x128xf32>
      %add3A_27 = vector.broadcast %get3A_26 : vector<1x128xf32> to vector<2000x128xf32>
      %add3A_28 = arith.addf %dot_general3A_23, %add3A_27 : vector<2000x128xf32>
      %swap3A = arith.index_cast %arg1 : i32 to index
      %swap3A_29 = arith.constant 0 : index
      %swap3A_30 = arith.constant 0 : index
      %swap3A_31 = vector.load %arg9[%swap3A, %swap3A_29, %swap3A_30] : memref<5x2000x128xf32, #tpu.memory_space<vmem>>, vector<1x2000x128xf32>
      %swap3A_32 = vector.shape_cast %swap3A_31 : vector<1x2000x128xf32> to vector<2000x128xf32>
      %swap3A_33 = vector.shape_cast %add3A_28 : vector<2000x128xf32> to vector<1x2000x128xf32>
      tpu.vector_store %arg9[%swap3A, %swap3A_29, %swap3A_30], %swap3A_33 {strides = array<i32>} : memref<5x2000x128xf32, #tpu.memory_space<vmem>>, vector<1x2000x128xf32>,
      %reduce_sum3A = arith.constant dense<0.000000e+00> : vector<128xf32>
      %reduce_sum3A_34 = vector.multi_reduction <add>, %add3A_28, %reduce_sum3A [0] : vector<2000x128xf32> to vector<128xf32>
      %broadcast_in_dim3A = vector.shape_cast %reduce_sum3A_34 : vector<128xf32> to vector<1x128xf32>
      %mul3A = arith.mulf %add3A_28, %add3A_28 : vector<2000x128xf32>
      %reduce_sum3A_35 = arith.constant dense<0.000000e+00> : vector<128xf32>
      %reduce_sum3A_36 = vector.multi_reduction <add>, %mul3A, %reduce_sum3A_35 [0] : vector<2000x128xf32> to vector<128xf32>
      %broadcast_in_dim3A_37 = vector.shape_cast %reduce_sum3A_36 : vector<128xf32> to vector<1x128xf32>
      %eq3A_38 = arith.constant 0 : i32
      %eq3A_39 = arith.cmpi eq, %arg1, %eq3A_38 : i32
      %convert_element_type3A_40 = arith.extui %eq3A_39 : i1 to i32
      %cond3A_41 = arith.constant 0 : i32
      %cond3A_42 = arith.cmpi ne, %convert_element_type3A_40, %cond3A_41 : i32
      scf.if %cond3A_42 {
        %swap3A_47 = arith.constant 0 : index
        %swap3A_48 = arith.constant 0 : index
        %swap3A_49 = vector.load %arg10[%swap3A_47, %swap3A_48] : memref<2x128xf32, #tpu.memory_space<vmem>>, vector<1x128xf32>
        tpu.vector_store %arg10[%swap3A_47, %swap3A_48], %broadcast_in_dim3A {strides = array<i32>} : memref<2x128xf32, #tpu.memory_space<vmem>>, vector<1x128xf32>,
        %swap3A_50 = arith.constant 1 : index
        %swap3A_51 = arith.constant 0 : index
        %swap3A_52 = vector.load %arg10[%swap3A_50, %swap3A_51] : memref<2x128xf32, #tpu.memory_space<vmem>>, vector<1x128xf32>
        tpu.vector_store %arg10[%swap3A_50, %swap3A_51], %broadcast_in_dim3A_37 {strides = array<i32>} : memref<2x128xf32, #tpu.memory_space<vmem>>, vector<1x128xf32>,
      } else {
      }
      %ne3A = arith.constant 0 : i32
      %ne3A_43 = arith.cmpi ne, %arg1, %ne3A : i32
      %convert_element_type3A_44 = arith.extui %ne3A_43 : i1 to i32
      %cond3A_45 = arith.constant 0 : i32
      %cond3A_46 = arith.cmpi ne, %convert_element_type3A_44, %cond3A_45 : i32
      scf.if %cond3A_46 {
        %get3A_47 = arith.constant 0 : index
        %get3A_48 = arith.constant 0 : index
        %get3A_49 = vector.load %arg10[%get3A_47, %get3A_48] : memref<2x128xf32, #tpu.memory_space<vmem>>, vector<1x128xf32>
        %add3A_50 = arith.addf %get3A_49, %broadcast_in_dim3A : vector<1x128xf32>
        %swap3A_51 = arith.constant 0 : index
        %swap3A_52 = arith.constant 0 : index
        %swap3A_53 = vector.load %arg10[%swap3A_51, %swap3A_52] : memref<2x128xf32, #tpu.memory_space<vmem>>, vector<1x128xf32>
        tpu.vector_store %arg10[%swap3A_51, %swap3A_52], %add3A_50 {strides = array<i32>} : memref<2x128xf32, #tpu.memory_space<vmem>>, vector<1x128xf32>,
        %get3A_54 = arith.constant 1 : index
        %get3A_55 = arith.constant 0 : index
        %get3A_56 = vector.load %arg10[%get3A_54, %get3A_55] : memref<2x128xf32, #tpu.memory_space<vmem>>, vector<1x128xf32>
        %add3A_57 = arith.addf %get3A_56, %broadcast_in_dim3A_37 : vector<1x128xf32>
        %swap3A_58 = arith.constant 1 : index
        %swap3A_59 = arith.constant 0 : index
        %swap3A_60 = vector.load %arg10[%swap3A_58, %swap3A_59] : memref<2x128xf32, #tpu.memory_space<vmem>>, vector<1x128xf32>
        tpu.vector_store %arg10[%swap3A_58, %swap3A_59], %add3A_57 {strides = array<i32>} : memref<2x128xf32, #tpu.memory_space<vmem>>, vector<1x128xf32>,
      } else {
      }
    } else {
    }
    %eq3A_2 = arith.constant 1 : i32
    %eq3A_3 = arith.cmpi eq, %arg0, %eq3A_2 : i32
    %convert_element_type3A_4 = arith.extui %eq3A_3 : i1 to i32
    %cond3A_5 = arith.constant 0 : i32
    %cond3A_6 = arith.cmpi ne, %convert_element_type3A_4, %cond3A_5 : i32
    scf.if %cond3A_6 {
      %get3A = arith.constant 0 : index
      %get3A_7 = arith.constant 0 : index
      %get3A_8 = vector.load %arg10[%get3A, %get3A_7] : memref<2x128xf32, #tpu.memory_space<vmem>>, vector<1x128xf32>
      %mul3A = arith.constant 9.99999974E-5 : f32
      %mul3A_9 = vector.broadcast %mul3A : f32 to vector<1x128xf32>
      %mul3A_10 = arith.mulf %get3A_8, %mul3A_9 : vector<1x128xf32>
      %get3A_11 = arith.constant 1 : index
      %get3A_12 = arith.constant 0 : index
      %get3A_13 = vector.load %arg10[%get3A_11, %get3A_12] : memref<2x128xf32, #tpu.memory_space<vmem>>, vector<1x128xf32>
      %mul3A_14 = arith.constant 9.99999974E-5 : f32
      %mul3A_15 = vector.broadcast %mul3A_14 : f32 to vector<1x128xf32>
      %mul3A_16 = arith.mulf %get3A_13, %mul3A_15 : vector<1x128xf32>
      %mul3A_17 = arith.mulf %mul3A_10, %mul3A_10 : vector<1x128xf32>
      %sub3A = arith.subf %mul3A_16, %mul3A_17 : vector<1x128xf32>
      %add3A = arith.constant 9.99999974E-6 : f32
      %add3A_18 = vector.broadcast %add3A : f32 to vector<1x128xf32>
      %add3A_19 = arith.addf %sub3A, %add3A_18 : vector<1x128xf32>
      %rsqrt3A = math.rsqrt %add3A_19 : vector<1x128xf32>
      %get3A_20 = arith.constant 0 : index
      %get3A_21 = arith.constant 0 : index
      %get3A_22 = vector.load %arg6[%get3A_20, %get3A_21] : memref<1x128xf32, #tpu.memory_space<vmem>>, vector<1x128xf32>
      %mul3A_23 = arith.mulf %rsqrt3A, %get3A_22 : vector<1x128xf32>
      %get3A_24 = arith.constant 0 : index
      %get3A_25 = arith.constant 0 : index
      %get3A_26 = vector.load %arg7[%get3A_24, %get3A_25] : memref<1x128xf32, #tpu.memory_space<vmem>>, vector<1x128xf32>
      %mul3A_27 = arith.mulf %mul3A_10, %mul3A_23 : vector<1x128xf32>
      %sub3A_28 = arith.subf %get3A_26, %mul3A_27 : vector<1x128xf32>
      %get3A_29 = arith.index_cast %arg1 : i32 to index
      %get3A_30 = arith.constant 0 : index
      %get3A_31 = arith.constant 0 : index
      %get3A_32 = vector.load %arg9[%get3A_29, %get3A_30, %get3A_31] : memref<5x2000x128xf32, #tpu.memory_space<vmem>>, vector<1x2000x128xf32>
      %get3A_33 = vector.shape_cast %get3A_32 : vector<1x2000x128xf32> to vector<2000x128xf32>
      %mul3A_34 = vector.broadcast %mul3A_23 : vector<1x128xf32> to vector<2000x128xf32>
      %mul3A_35 = arith.mulf %get3A_33, %mul3A_34 : vector<2000x128xf32>
      %add3A_36 = vector.broadcast %sub3A_28 : vector<1x128xf32> to vector<2000x128xf32>
      %add3A_37 = arith.addf %mul3A_35, %add3A_36 : vector<2000x128xf32>
      %swap3A = arith.constant 0 : index
      %swap3A_38 = arith.constant 0 : index
      %swap3A_39 = vector.load %arg8[%swap3A, %swap3A_38] : memref<2000x128xf32, #tpu.memory_space<vmem>>, vector<2000x128xf32>
      tpu.vector_store %arg8[%swap3A, %swap3A_38], %add3A_37 {strides = array<i32>} : memref<2000x128xf32, #tpu.memory_space<vmem>>, vector<2000x128xf32>,
    } else {
    }
    return
  }
  func.func @transform_0(%arg0: i32, %arg1: i32) -> (i32, i32) {
    %sub3A = arith.constant 1 : i32
    %sub3A_0 = arith.subi %sub3A, %arg0 : i32
    %mul3A = arith.muli %sub3A_0, %arg1 : i32
    %c0_i32 = arith.constant 0 : i32
    %c0_i32_1 = arith.constant 0 : i32
    return %mul3A, %c0_i32 : i32, i32
  }
  func.func @transform_1(%arg0: i32, %arg1: i32) -> (i32, i32, i32) {
    %sub3A = arith.constant 1 : i32
    %sub3A_0 = arith.subi %sub3A, %arg0 : i32
    %mul3A = arith.muli %sub3A_0, %arg1 : i32
    %c0_i32 = arith.constant 0 : i32
    %c0_i32_1 = arith.constant 0 : i32
    %c0_i32_2 = arith.constant 0 : i32
    return %c0_i32, %mul3A, %c0_i32_1 : i32, i32, i32
  }
  func.func @transform_2(%arg0: i32, %arg1: i32) -> (i32, i32) {
    %c0_i32 = arith.constant 0 : i32
    %c0_i32_0 = arith.constant 0 : i32
    %c0_i32_1 = arith.constant 0 : i32
    return %c0_i32, %c0_i32_0 : i32, i32
  }
  func.func @transform_3(%arg0: i32, %arg1: i32) -> (i32, i32) {
    %c0_i32 = arith.constant 0 : i32
    %c0_i32_0 = arith.constant 0 : i32
    %c0_i32_1 = arith.constant 0 : i32
    return %c0_i32, %c0_i32_0 : i32, i32
  }
  func.func @transform_4(%arg0: i32, %arg1: i32) -> (i32, i32) {
    %c0_i32 = arith.constant 0 : i32
    %c0_i32_0 = arith.constant 0 : i32
    %c0_i32_1 = arith.constant 0 : i32
    return %c0_i32, %c0_i32_0 : i32, i32
  }
  func.func @transform_5(%arg0: i32, %arg1: i32) -> (i32, i32) {
    %c0_i32 = arith.constant 0 : i32
    %c0_i32_0 = arith.constant 0 : i32
    %c0_i32_1 = arith.constant 0 : i32
    return %c0_i32, %c0_i32_0 : i32, i32
  }
  func.func @transform_6(%arg0: i32, %arg1: i32) -> (i32, i32) {
    %c0_i32 = arith.constant 0 : i32
    %c0_i32_0 = arith.constant 0 : i32
    return %arg1, %c0_i32 : i32, i32
  }
}

</mosaic_0001>

<sc_bundles>
// kernel: kernel.4.cloned.1.call-start
scs
__scs_entry_jumppad:
0x0: {  	(pc) =	sbr.rel $0x88, $3  }
0x1: {  	(tag) =	ssettag $0x0;
	lr =	simm.s32 $0x1  }
0x2: {  	[smem:$0x3F9B] =	sst lr;
	_ =	strace $0xD0000000  }
0x3: {  	_ = 	snop  }
0x4: {  	_ = 	snop  }
0x5: {  	_ = 	snop  }
0x6: {  	_ = 	snop  }
0x7: {  	_ = 	snop  }
__scs_overlays_trampoline_lowered:
0x8: {  	[smem:$0x3FAA] =	sst s0  }
0x9: {  	[smem:$0x3FAB] =	sst s1  }
0xa: {  	[smem:$0x3FAC] =	sst s2  }
0xb: {  	[smem:$0x3FAD] =	sst s3  }
0xc: {  	[smem:$0x3FAE] =	sst s4  }
0xd: {  	[smem:$0x3FAF] =	sst s5  }
0xe: {  	[smem:$0x3FB0] =	sst s6  }
0xf: {  	[smem:$0x3FB1] =	sst s7  }
0x10: {  	[smem:$0x3FB2] =	sst s8  }
0x11: {  	[smem:$0x3FB3] =	sst s9;
	s0 =	simm.s32 @!p0 $0x0  }
0x12: {  	s1 =	sld [smem:$0x3F99];
	s0 =	simm.s32 @p0 $0x1  }
0x13: {  	[smem:$0x3FB4] =	sst s0;
	s0 =	simm.s32 @!p1 $0x0  }
0x14: {  	s2 =	sld [smem:$0x3F98];
	s0 =	simm.s32 @p1 $0x1  }
0x15: {  	[smem:$0x3FB5] =	sst s0;
	s0 =	simm.s32 @!p2 $0x0  }
0x16: {  	s3 =	sld [smem:$0x3FDB];
	s0 =	simm.s32 @p2 $0x1  }
0x17: {  	s4 =	simm.s32 $0x1BF5;
	[smem:$0x3FB7] =	sst s0  }
0x18: {  	s0 =	sld [smem:$0x3F9A];
	_ =	swait.ge [sflag:s4], $0x0  }
0x19: {  	s7 =	sld [smem:$0x3F9B]  }
0x1a: {  	s8 =	sadd.s32 $0xFFFFE003, lr  }
0x1b: {  	s9 =	sadd.s32 $0xFFFFFEF7, lr;
	s5 =	simm.s32 $0xFFFFFFFF;
	p2 =	slt.u32 s8, $0xFFFFF086  }
0x1c: {  	p1 =	slt.u32 s9, $0xF7A;
	s5 =	simm.s32 @!p2 $0x0  }
0x1d: {  	s5 =	simm.s32 @p1 $0x1;
	p0 =	seq.s32 s7, s2  }
0x1e: {  	s7 =	smul.u32 @!p0 $0xF7A, s2;
	p2 =	seq.s32 @!p0 s5, $0x0  }
0x1f: {  	s9 =	smul.u32 $0xF7A, s1;
	s8 =	simm.s32 @!p0 $0x1BF5;
	p2 =	por !p2, p0  }
0x20: {  	[sflag:s8] =	ssyncset.s32 @!p0 $0xFFFFF086;
	s6 =	sadd.s32 @!p0 s3, s7;
	s7 =	simm.s32 @!p0 $0x108  }
0x21: {  	s3 =	sadd.s32 s3, s9;
	s6 =	sadd.s32 @!p0 $0x88, s6;
	s7 =	simm.s32 @p2 $0x1082  }
0x22: {  	[simem:s7], [sflag:s8] =	dma.local @!p0 [hbm:s6], $0xF7A  }
0x23: {  	s9 =	sor.u32 $0xD0000000, s2;
	s6 =	simm.s32 $0x108;
	_ =	swait.ge @!p0 [sflag:s8], $0x0  }
0x24: {  	s3 =	sadd.s32 $0x88, s3;
	s6 =	simm.s32 @!p1 $0x1082;
	[sflag:s4] =	ssyncset.s32 $0xFFFFF086  }
0x25: {  	[simem:s6], [sflag:s4] =	dma.local [hbm:s3], $0xF7A  }
0x26: {  	[smem:$0x3F9B] =	sst s1;
	(tag) =	ssettag s2;
	_ =	strace s9  }
0x27: {  	s1 =	sld [smem:$0x3FAB]  }
0x28: {  	s2 =	sld [smem:$0x3FAC]  }
0x29: {  	s4 =	sld [smem:$0x3FAE]  }
0x2a: {  	p0 =	seq.s32 s5, $0x0;
	s5 =	sld [smem:$0x3FAF]  }
0x2b: {  	s6 =	sld [smem:$0x3FB0]  }
0x2c: {  	s7 =	sld [smem:$0x3FB1]  }
0x2d: {  	s3 =	simm.s32 $0x108;
	s8 =	sld [smem:$0x3FB2]  }
0x2e: {  	s3 =	simm.s32 @!p0 $0x1082;
	s9 =	sld [smem:$0x3FB3]  }
0x2f: {  	lr =	sadd.s32 s0, s3;
	s0 =	sld [smem:$0x3FAA]  }
0x30: {  	s3 =	sld [smem:$0x3FAD]  }
0x31: {  	[smem:$0x3FB6] =	sst s10  }
0x32: {  	s10 =	sld [smem:$0x3FB4];
	_ =	sdelay $0x3  }
0x33: {  	p0 =	seq.s32 s10, $0x1;
	s10 =	sld [smem:$0x3FB6];
	_ =	sdelay $0x3  }
0x34: {  	[smem:$0x3FB6] =	sst s10  }
0x35: {  	s10 =	sld [smem:$0x3FB5];
	_ =	sdelay $0x3  }
0x36: {  	p1 =	seq.s32 s10, $0x1;
	s10 =	sld [smem:$0x3FB6];
	_ =	sdelay $0x3  }
0x37: {  	[smem:$0x3FB6] =	sst s10  }
0x38: {  	s10 =	sld [smem:$0x3FB7]  }
0x39: {  	_ = 	snop;
	(pc) =	sbr.ind lr, $3  }
0x3a: {  	_ = 	snop  }
0x3b: {  	_ = 	snop  }
0x3c: {  	p2 =	seq.s32 s10, $0x1;
	s10 =	sld [smem:$0x3FB6]  }
0x3d: {  	_ =	shalt  }
0x3e: {  	_ =	shalt  }
0x3f: {  	_ =	shalt  }
0x40: {  	_ =	shalt  }
0x41: {  	_ =	shalt  }
0x42: {  	_ =	shalt  }
0x43: {  	_ =	shalt  }
0x44: {  	_ =	shalt  }
0x45: {  	_ =	shalt  }
0x46: {  	_ =	shalt  }
0x47: {  	_ =	shalt  }
0x48: {  	_ =	shalt  }
0x49: {  	_ =	shalt  }
0x4a: {  	_ =	shalt  }
0x4b: {  	_ =	shalt  }
0x4c: {  	_ =	shalt  }
0x4d: {  	_ =	shalt  }
0x4e: {  	_ =	shalt  }
0x4f: {  	_ =	shalt  }
0x50: {  	_ =	shalt  }
0x51: {  	_ =	shalt  }
0x52: {  	_ =	shalt  }
0x53: {  	_ =	shalt  }
0x54: {  	_ =	shalt  }
0x55: {  	_ =	shalt  }
0x56: {  	_ =	shalt  }
0x57: {  	_ =	shalt  }
0x58: {  	_ =	shalt  }
0x59: {  	_ =	shalt  }
0x5a: {  	_ =	shalt  }
0x5b: {  	_ =	shalt  }
0x5c: {  	_ =	shalt  }
0x5d: {  	_ =	shalt  }
0x5e: {  	_ =	shalt  }
0x5f: {  	_ =	shalt  }
0x60: {  	_ =	shalt  }
0x61: {  	_ =	shalt  }
0x62: {  	_ =	shalt  }
0x63: {  	_ =	shalt  }
0x64: {  	_ =	shalt  }
0x65: {  	_ =	shalt  }
0x66: {  	_ =	shalt  }
0x67: {  	_ =	shalt  }
0x68: {  	_ =	shalt  }
0x69: {  	_ =	shalt  }
0x6a: {  	_ =	shalt  }
0x6b: {  	_ =	shalt  }
0x6c: {  	_ =	shalt  }
0x6d: {  	_ =	shalt  }
0x6e: {  	_ =	shalt  }
0x6f: {  	_ =	shalt  }
0x70: {  	_ =	shalt  }
0x71: {  	_ =	shalt  }
0x72: {  	_ =	shalt  }
0x73: {  	_ =	shalt  }
0x74: {  	_ =	shalt  }
0x75: {  	_ =	shalt  }
0x76: {  	_ =	shalt  }
0x77: {  	_ =	shalt  }
0x78: {  	_ =	shalt  }
0x79: {  	_ =	shalt  }
0x7a: {  	_ =	shalt  }
0x7b: {  	_ =	shalt  }
0x7c: {  	_ =	shalt  }
0x7d: {  	_ =	shalt  }
0x7e: {  	_ =	shalt  }
0x7f: {  	_ =	shalt  }
0x80: {  	_ =	shalt  }
0x81: {  	_ =	shalt  }
0x82: {  	_ =	shalt  }
0x83: {  	_ =	shalt  }
0x84: {  	_ =	shalt  }
0x85: {  	_ =	shalt  }
0x86: {  	_ =	shalt  }
0x87: {  	_ =	shalt  }
.Lfunc_end0:
.L_simem_size_0:
called_computation_lowered:
.L_overlay_start_0:
0x88: {  	s2 =	sld [smem:$0x3FD9]  }
0x89: {  	s3 =	sld [smem:$0x3FFE];
	_ =	sdelay $0x1  }
0x8a: {  	s1 =	srdreg.scid  }
0x8b: {  	s0 =	sand.u32 $0x1, s1  }
0x8c: {  	s17 =	sshll.u32 s0, $0xA;
	s2 =	sadd.s32 s3, s2  }
0x8d: {  	s2 =	sadd.s32 s2, s17  }
0x8e: {  	[smem:$0x3FC2] =	sst s2  }
0x8f: {  	_ = 	snop  }
0x90: {  	s2 =	sld [smem:$0x3FC9]  }
0x91: {  	s18 =	sld [smem:$0x3FD0];
	(tm) =	ssettm $0x1  }
0x92: {  	s4 =	sld [smem:$0x3FFB];
	_ =	sdelay $0x3  }
0x93: {  	_ =	strace s4  }
0x94: {  	s4 =	sld [smem:$0x3FFC];
	_ =	sdelay $0x3  }
0x95: {  	_ =	strace s4  }
0x96: {  	s4 =	sld [smem:$0x3FFD];
	_ =	sdelay $0x3  }
0x97: {  	_ =	strace s4  }
0x98: {  	_ =	strace $0x8FFFFFFF  }
0x99: {  	s19 =	sld [smem:$0x3FDB];
	_ =	sdelay $0x1  }
0x9a: {  	s5 =	simm.s32 $_scs_section_size  }
0x9b: {  	s6 =	simm.s32 $_size__tile_overlayer_lowered;
	s7 =	simm.s32 $_tile_overlayer_lowered  }
0x9c: {  	s22 =	simm.s32 $0x1BFF;
	s21 =	sshll.u32 s7, $0x1;
	s4 =	sadd.s32 s5, s19  }
0x9d: {  	s8 =	simm.s32 $0x0;
	s20 =	sshll.u32 s6, $0x1;
	s6 =	sadd.s32 s21, s4  }
0x9e: {  	[timem:s8], [sflag:s22] =	dma.local [hbm:s6], s20  }
0x9f: {  	_ =	swait.ge [sflag:s22], s20  }
0xa0: {  	s5 =	ssub.s32 $0x0, s20;
	[sflag:s22] =	ssyncset.done $0x0  }
0xa1: {  	[sflag:s22] =	ssyncadd.s32 s5;
	_ =	sdelay $0x1  }
0xa2: {  	s23 =	simm.s32 $0x1B8B  }
0xa3: {  	_ =	swait.ge [sflag:s23], $0x1  }
0xa4: {  	[sflag:s23] =	ssyncset.done $0x0  }
0xa5: {  	s25 =	simm.s32 $0x1B8E;
	s24 =	sld [smem:$0x3FFE];
	[sflag:s23] =	ssyncadd.s32 $0xFFFFFFFF  }
0xa6: {  	s26 =	simm.s32 $execute0_lowered;
	[smem:$0x3FD2] =	sst s25  }
0xa7: {  	s6 =	sshll.u32 s26, $0x1;
	_ =	strace $0x80000046;
	[dreg:$0x1] =	wrdreg $0xFFFFFFFF  }
0xa8: {  	s28 =	simm.s32 $_size_execute0_lowered;
	s4 =	sadd.s32 s4, s6;
	[dreg:$0x0] =	wrdreg $0x0  }
0xa9: {  	s6 =	sshll.u32 s28, $0x1;
	[dreg:$0x2] =	wrdreg s4  }
0xaa: {  	[dreg:$0x3] =	wrdreg s6  }
0xab: {  	[dreg:$0x4] =	wrdreg $0xC0  }
0xac: {  	_ =	task [dreg:s8], $0x5FFFF  }
0xad: {  	[dreg:$0x1] =	wrdreg $0xFFFFFFFF  }
0xae: {  	[dreg:$0x0] =	wrdreg $0x60  }
0xaf: {  	[dreg:$0x2] =	wrdreg s2  }
0xb0: {  	[dreg:$0x3] =	wrdreg s18  }
0xb1: {  	[dreg:$0x4] =	wrdreg s24  }
0xb2: {  	[dreg:$0x5] =	wrdreg $0x90000  }
0xb3: {  	[dreg:$0x6] =	wrdreg $0x9  }
0xb4: {  	_ =	task.clear_ibuf [dreg:s8], $0x7FFFF;
	_ =	strace $0x90000046  }
0xb5: {  	s29 =	simm.s32 $0x9;
	_ =	strace $0x80000048  }
0xb6: {  	_ =	swait.ge [sflag:s29], $0x1  }
0xb7: {  	[sflag:s29] =	ssyncadd.s32 $0xFFFFFFFF  }
0xb8: {  	_ =	strace $0x90000048  }
0xb9: {  	_ =	sfence  }
0xba: {  	s30 =	sld [smem:$0x0];
	_ =	sdelay $0x2  }
0xbb: {  	s31 =	sshll.u32 s1, $0xD;
	s1 =	sshrl.u32 s1, $0x2  }
0xbc: {  	s3 =	sand.u32 $0x4000, s31;
	s1 =	sadd.s32 s1, s30  }
0xbd: {  	s0 =	sor.u32 s3, s0;
	s1 =	sshll.u32 s1, $0x11  }
0xbe: {  	s0 =	sor.u32 s1, s0  }
0xbf: {  	s0 =	sadd.s32 $0x8F2B, s0  }
0xc0: {  	[sflag:s0] =	ssyncadd.remote.s32 $0x1  }
0xc1: {  	_ =	sfence.sel $0xFFFF  }
0xc2: {  	[dreg:$0x0] =	wrdreg $0xFFFFFFFF;
	(pc) =	sbr.abs _section_cstart, $3  }
0xc3: {  	[dreg:$0x1] =	wrdreg $0xFFFFFFFF  }
0xc4: {  	_ =	task.clear_ibuf [dreg:s8], $0x2FFFF;
	_ =	strace $0x9FFFFFFF  }
0xc5: {  	(tm) =	ssettm $0x7FFFFFFF  }
tec
execute0_lowered:
.L_overlay_start_1:
0x0: {  	(tag) =	ssettag $0x1  }
0x1: {  	s1 =	rddreg [dreg:$0x0]  }
0x2: {  	s10 =	rddreg [dreg:$0x1]  }
0x3: {  	s6 =	rddreg [dreg:$0x2]  }
0x4: {  	s0 =	srdreg.scid;
	s3 =	rddreg [dreg:$0x3]  }
0x5: {  	s4 =	simm.s32 $0x0;
	s15 =	simm.s32 $0x1;
	s5 =	sand.u32 $0x1, s0  }
0x6: {  	s16 =	simm.s32 $0x2800;
	s0 =	stileid.u32;
	s7 =	smul.u32 $0x13C000, s5  }
0x7: {  	s17 =	simm.s32 $0x80;
	[smem:$0x7FF] =	sst s4;
	s8 =	smul.u32 $0x13C00, s0  }
0x8: {  	s2 =	sshll.u32 s5, $0x4;
	s9 =	smul.u32 $0x4F000, s0;
	s5 =	ssub.s32 $0x2, s5  }
0x9: {  	s18 =	sshll.u32 s0, $0x6;
	s2 =	sor.u32 s0, s2;
	s31 =	sshrl.u32 s5, $0x1  }
0xa: {  	s18 =	sor.u32 $0x1C01, s18;
	s11 =	smul.u32 $0x500, s2;
	s2 =	rddreg [dreg:$0x4]  }
0xb: {  	_ =	strace $0x80000047;
	s7 =	sadd.s32 s8, s7;
	s9 =	sshrl.u32 s9, $0x2  }
0xc: {  	s14 =	ssub.s32 s5, s31;
	s7 =	sshrl.u32 s7, $0x3;
	s5 =	sadd.s32 s9, s3  }
0xd: {  	s12 =	sadd.s32 s11, s6;
	s13 =	sadd.s32 s7, s6;
	s6 =	sadd.s32 $0x4000, s5  }
0xe: {  	s7 =	sadd.s32 $0x8000, s5;
	s8 =	sadd.s32 $0xC000, s5;
	s9 =	sadd.s32 $0x10000, s5  }
0xf: {  	s10 =	sadd.s32 s10, s11;
	s19 =	sshrl.u32 s5, $0x3;
	s11 =	sadd.s32 $0xE00, s12  }
0x10: {  	v0 =	vimm.f32 $0.0e+00;
	s12 =	sadd.s32 $0xAE00, s13;
	s13 =	smax.u32 s14, $0x1;
	s14 =	simm.s32 $0x5000  }
.LBB2_1:
0x11: {  	s20 =	simm.s32 $0x0;
	s21 =	simm.s32 $0x200  }
.LBB2_2:
0x12: {  	p0 =	sne.s32 s21, $0xFE00;
	[tilespmem:s20+$0x5070] =	vst v0  }
0x13: {  	[tilespmem:s20+$0x5000] =	vst v0  }
0x14: {  	[tilespmem:s20+$0x5010] =	vst v0  }
.Ltmp0:
0x15: {  	[tilespmem:s20+$0x5020] =	vst v0;
	(pc) =	sbr.rel @p0 .LBB2_2-.Ltmp0, $4  }
0x16: {  	[tilespmem:s20+$0x5030] =	vst v0  }
0x17: {  	[tilespmem:s20+$0x5040] =	vst v0  }
0x18: {  	[tilespmem:s20+$0x5050] =	vst v0  }
0x19: {  	[tilespmem:s20+$0x5060] =	vst v0;
	s20 =	sshra.s32 s21, $0x2;
	s21 =	sadd.s32 $0x200, s21  }
0x1a: {  	[tilespmem:s20+$0x5070] =	vst v0  }
0x1b: {  	[tilespmem:s20+$0x5000] =	vst v0  }
0x1c: {  	[tilespmem:s20+$0x5010] =	vst v0  }
0x1d: {  	[tilespmem:s20+$0x5020] =	vst v0  }
0x1e: {  	[tilespmem:s20+$0x5030] =	vst v0  }
0x1f: {  	[tilespmem:s20+$0x5040] =	vst v0  }
0x20: {  	[tilespmem:s20+$0x5050] =	vst v0  }
0x21: {  	[tilespmem:s20+$0x5060] =	vst v0  }
0x22: {  	[spmem:s5] =	stream.linear.scatter [tilespmem:s14], [sflag:$0x1], $0x4000, $0x38;
	[tilespmem:$0x1CC00] =	vst v63  }
0x23: {  	_ =	swait.ge [sflag:s15], $0x4000  }
0x24: {  	[sflag:s15] =	ssyncset.done $0x0  }
0x25: {  	[sflag:s15] =	ssyncadd.s32 $0xFFFFC000  }
0x26: {  	[spmem:s6] =	stream.linear.scatter [tilespmem:s14], [sflag:$0x1], $0x4000, $0x38;
	[tilespmem:$0x1CC00] =	vst v63  }
0x27: {  	_ =	swait.ge [sflag:s15], $0x4000  }
0x28: {  	[sflag:s15] =	ssyncset.done $0x0  }
0x29: {  	[sflag:s15] =	ssyncadd.s32 $0xFFFFC000  }
0x2a: {  	[spmem:s7] =	stream.linear.scatter [tilespmem:s14], [sflag:$0x1], $0x4000, $0x38;
	[tilespmem:$0x1CC00] =	vst v63  }
0x2b: {  	_ =	swait.ge [sflag:s15], $0x4000  }
0x2c: {  	[sflag:s15] =	ssyncset.done $0x0  }
0x2d: {  	[sflag:s15] =	ssyncadd.s32 $0xFFFFC000  }
0x2e: {  	[spmem:s8] =	stream.linear.scatter [tilespmem:s14], [sflag:$0x1], $0x4000, $0x38;
	[tilespmem:$0x1CC00] =	vst v63  }
0x2f: {  	_ =	swait.ge [sflag:s15], $0x4000  }
0x30: {  	[sflag:s15] =	ssyncset.done $0x0  }
0x31: {  	[sflag:s15] =	ssyncadd.s32 $0xFFFFC000  }
0x32: {  	[spmem:s9] =	stream.linear.scatter [tilespmem:s14], [sflag:$0x1], $0x3C00, $0x38;
	[tilespmem:$0x1CC00] =	vst v63  }
0x33: {  	_ =	swait.ge [sflag:s15], $0x3C00  }
0x34: {  	[sflag:s15] =	ssyncset.done $0x0  }
0x35: {  	s29 =	simm.s32 $0x0;
	[sflag:s15] =	ssyncadd.s32 $0xFFFFC400  }
0x36: {  	[tilespmem:s29], [sflag:$0x1] =	stream.linear.gather [hbm4b:s10+s29], $0x2780, $0x38;
	[tilespmem:$0x1CC00] =	vst v63  }
0x37: {  	_ =	swait.ge [sflag:s15], $0x2780  }
0x38: {  	[sflag:s15] =	ssyncset.done $0x0  }
0x39: {  	[sflag:s15] =	ssyncadd.s32 $0xFFFFD880  }
0x3a: {  	[tilespmem:s16], [sflag:$0x1] =	stream.linear.gather [hbm4b:s11+s29], $0x2780, $0x38;
	[tilespmem:$0x1CC00] =	vst v63  }
0x3b: {  	_ =	swait.ge [sflag:s15], $0x2780  }
0x3c: {  	[sflag:s15] =	ssyncset.done $0x0  }
0x3d: {  	[sflag:s15] =	ssyncadd.s32 $0xFFFFD880  }
0x3e: {  	s30 =	simm.s32 $0x0;
	[bflag:$0x0] =	sbarrier.arrive $0xFFFF  }
0x3f: {  	[tilespmem:s14], [sflag:$0x1] =	stream.indirect.gather [hbm4b:s1+s17], $0x80, s30, s17, $0xb8;
	[tilespmem:$0x1CC00] =	vst v63  }
0x40: {  	_ =	swait.ge [sflag:s15], $0x4000  }
0x41: {  	[sflag:s15] =	ssyncset.done $0x0  }
0x42: {  	s31 =	simm.s32 $0x2800;
	[sflag:s15] =	ssyncadd.s32 $0xFFFFC000  }
0x43: {  	[spmem:s3] =	stream.indirect.scatter.add.f32 [tilespmem:s14], [sflag:$0x1], $0x80, s31, s17, $0xb8;
	[tilespmem:$0x1CC00] =	vst v63  }
0x44: {  	_ =	swait.ge [sflag:s15], $0x4000  }
0x45: {  	s20 =	simm.s32 $0x200;
	s21 =	simm.s32 $0x400;
	[sflag:s15] =	ssyncset.done $0x0  }
.LBB2_4:
0x46: {  	s22 =	sshra.s32 s20, $0x2  }
0x47: {  	[sflag:s15] =	ssyncadd.s32 $0xFFFFC000;
	s20 =	smov.u32 s21;
	s23 =	sadd.s32 $0x200, s21  }
0x48: {  	[tilespmem:s14], [sflag:$0x1] =	stream.indirect.gather [hbm4b:s1+s17], $0x80, s22, s17, $0xb8;
	[tilespmem:$0x1CC00] =	vst v63  }
0x49: {  	p0 =	sne.s32 s21, $0x9C00;
	_ =	swait.ge [sflag:s15], $0x4000  }
.Ltmp1:
0x4a: {  	[sflag:s15] =	ssyncset.done $0x0;
	(pc) =	sbr.rel @p0 .LBB2_4-.Ltmp1, $4  }
0x4b: {  	s21 =	sadd.s32 $0x2800, s22;
	[sflag:s15] =	ssyncadd.s32 $0xFFFFC000  }
0x4c: {  	[spmem:s3] =	stream.indirect.scatter.add.f32 [tilespmem:s14], [sflag:$0x1], $0x80, s21, s17, $0xb8;
	[tilespmem:$0x1CC00] =	vst v63  }
0x4d: {  	_ =	swait.ge [sflag:s15], $0x4000  }
0x4e: {  	s21 =	smov.u32 s23;
	[sflag:s15] =	ssyncset.done $0x0  }
0x4f: {  	s20 =	sshra.s32 s20, $0x2;
	[sflag:s15] =	ssyncadd.s32 $0xFFFFC000  }
0x50: {  	[tilespmem:s14], [sflag:$0x1] =	stream.indirect.gather [hbm4b:s1+s17], $0x80, s20, s17, $0xb8;
	[tilespmem:$0x1CC00] =	vst v63  }
0x51: {  	_ =	swait.ge [sflag:s15], $0x4000  }
0x52: {  	[sflag:s15] =	ssyncset.done $0x0  }
0x53: {  	s20 =	sadd.s32 $0x2800, s20;
	[sflag:s15] =	ssyncadd.s32 $0xFFFFC000  }
0x54: {  	[spmem:s3] =	stream.indirect.scatter.add.f32 [tilespmem:s14], [sflag:$0x1], $0x80, s20, s17, $0xb8;
	[tilespmem:$0x1CC00] =	vst v63  }
0x55: {  	_ =	swait.ge [sflag:s15], $0x4000  }
0x56: {  	s4 =	sadd.s32 $0x1, s4;
	[sflag:s15] =	ssyncset.done $0x0  }
0x57: {  	p0 =	sne.s32 s4, s13;
	[sflag:s15] =	ssyncadd.s32 $0xFFFFC000  }
.Ltmp2:
0x58: {  	[bflag:$0x0] =	sbarrier.arrive $0xFFFF;
	(pc) =	sbr.rel @p0 .LBB2_1-.Ltmp2, $4  }
0x59: {  	[hbm:s12], [sflag:s18] =	dma.local [spmem:s19], $0x2780  }
0x5a: {  	_ =	swait.ge [sflag:s15], $0x2780  }
0x5b: {  	[sflag:s15] =	ssyncset.done $0x0  }
0x5c: {  	[sflag:s15] =	ssyncadd.s32 $0xFFFFD880  }
0x5d: {  	_ =	sfence.sel $0x180000  }
0x5e: {  	[bflag:$0x0] =	sbarrier.arrive $0xFFFF  }
0x5f: {  	p0 =	sne.s32 s0, $0x0;
	_ =	strace $0x90000047  }
0x60: {  	s0 =	sadd.s32 @!p0 $0x100000, s2;
	[bflag:$0x2] =	sbarrier.arrive $0xFFFF  }
0x61: {  	[sflag:s0] =	ssyncadd.tile.s32 @!p0 $0x1;
	_ =	shalt  }
.Lfunc_end2:
_tile_overlayer_lowered:
.L_overlay_start_2:
0x62: {  	(tag) =	ssettag $0x2  }
0x63: {  	s0 =	rddreg [dreg:$0x0];
	s2 =	stileid.u32  }
0x64: {  	s1 =	rddreg [dreg:$0x1];
	p0 =	sne.s32 s2, $0x0  }
0x65: {  	s3 =	rddreg [dreg:$0x2];
	[bflag:$0x3] =	sbarrier.arrive $0xFFFF;
	s2 =	simm.s32 @!p0 $0x1C01  }
0x66: {  	[timem:s3], [sflag:s2] =	dma.local @!p0 [hbm:s0], s1  }
0x67: {  	s0 =	simm.s32 @!p0 $0x1  }
0x68: {  	_ =	swait.ge @!p0 [sflag:s0], s1  }
0x69: {  	s1 =	ssub.s32 @!p0 $0x0, s1;
	[sflag:s0] =	ssyncset.done @!p0 $0x0  }
0x6a: {  	[sflag:s0] =	ssyncadd.s32 @!p0 s1  }
0x6b: {  	[bflag:$0x3] =	sbarrier.arrive $0xFFFF  }
0x6c: {  	_ =	shalt  }

</sc_bundles>
